<compile_context>
chip_gen: v7x
topology: tpu7x:2x2x1
jax: 0.10.2.dev20260603
libtpu: 0.0.44.dev20260713+nightly
codegen_flags: <defaults>
</compile_context>

<pallas_src>
import functools

import jax
import jax.numpy as jnp
from jax import lax
from jax.experimental import pallas as pl
from jax.experimental.pallas import tpu as pltpu
from jax.experimental.pallas import tpu_sc as plsc

IN_F = 512
OUT_F = 32
LANES = 16


def _build_mask_sc(idx, B, Q, M):
    half = Q // 2
    mesh = plsc.VectorSubcoreMesh(core_axis_name="c", subcore_axis_name="s")

    @functools.partial(
        pl.kernel,
        mesh=mesh,
        out_type=jax.ShapeDtypeStruct((B, Q), jnp.float32),
        scratch_types=[
            pltpu.VMEM((M,), jnp.int32),
            pltpu.VMEM((half,), jnp.float32),
        ],
        compiler_params=pltpu.CompilerParams(needs_layout_passes=False),
    )
    def mask_kernel(idx_hbm, mask_hbm, idx_v, mask_v):
        num_c = lax.axis_size("c")
        wid = lax.axis_index("s") * num_c + lax.axis_index("c")
        batch = wid // 2
        base = (wid % 2) * half

        pltpu.sync_copy(idx_hbm.at[batch], idx_v)

        zeros = jnp.zeros((LANES,), jnp.float32)

        def zero_body(i, carry):
            mask_v[pl.ds(i * LANES, LANES)] = zeros
            return carry

        lax.fori_loop(0, half // LANES, zero_body, 0, unroll=8)

        ones = jnp.ones((LANES,), jnp.float32)

        def scat_body(i, carry):
            ids = idx_v[pl.ds(i * LANES, LANES)]
            local = ids - base
            ok = (local >= 0) & (local < half)
            safe = jnp.where(ok, local, 0)
            plsc.store_scatter(mask_v, [safe], ones, mask=ok)
            return carry

        lax.fori_loop(0, M // LANES, scat_body, 0, unroll=8)

        pltpu.sync_copy(mask_v, mask_hbm.at[batch, pl.ds(base, half)])

    return mask_kernel(idx)


def _masked_linear_tc(d_A, mask, W, b2, B, Q):
    grid = (B,)

    def body(x_ref, m_ref, w_ref, b_ref, o_ref):
        acc = lax.dot_general(
            x_ref[0],
            w_ref[...],
            (((1,), (1,)), ((), ())),
            preferred_element_type=jnp.float32,
        )
        m_row = m_ref[pl.ds(pl.program_id(0), 1), :]
        ones_row = jnp.ones((1, OUT_F), jnp.float32)
        mcol = lax.dot_general(
            m_row,
            ones_row,
            (((0,), (0,)), ((), ())),
            preferred_element_type=jnp.float32,
        )
        o_ref[0] = (acc + b_ref[...]) * mcol

    return pl.pallas_call(
        body,
        grid=grid,
        in_specs=[
            pl.BlockSpec((1, Q, IN_F), lambda b: (b, 0, 0)),
            pl.BlockSpec((B, Q), lambda b: (0, 0)),
            pl.BlockSpec((OUT_F, IN_F), lambda b: (0, 0)),
            pl.BlockSpec((1, OUT_F), lambda b: (0, 0)),
        ],
        out_specs=pl.BlockSpec((1, Q, OUT_F), lambda b: (b, 0, 0)),
        out_shape=jax.ShapeDtypeStruct((B, Q, OUT_F), d_A.dtype),
    )(d_A, mask, W, b2)


def kernel(d_A, masked_indices_list, W, b):
    B, Q, _ = d_A.shape
    M = masked_indices_list.shape[1]
    idx = masked_indices_list.astype(jnp.int32)
    mask = _build_mask_sc(idx, B, Q, M)
    return _masked_linear_tc(d_A, mask, W, b.reshape(1, OUT_F), B, Q)

# --- scband reference (transcript-rebuilt; emitter-appended) ---
"""Pipeline reference for scband-predict-masked-audio-tokens-86723979641258 (READ-ONLY COPY).

The authoritative reference and input builder live on the scoring server;
editing this copy changes nothing except your own understanding.
"""

import jax, jax.numpy as jnp
import numpy as np

IN_FEATURES = 512
OUT_FEATURES = 32
B, Q, M = 16, 4096, 2048


def setup_inputs(seed: int = 0) -> dict:
    key = jax.random.key(seed)
    k1, k2, k3, k4 = jax.random.split(key, 4)
    d_A = jax.random.normal(k1, (B, Q, IN_FEATURES), dtype=jnp.float32)
    masked_indices_list = jax.random.randint(k2, (B, M), 0, Q, dtype=jnp.int64)
    # Linear params: torch nn.Linear(in_features, 32) -> weight [32, in], bias [32]
    # xavier_uniform_ init for weight, zeros for bias
    limit = float(np.sqrt(6.0 / (IN_FEATURES + OUT_FEATURES)))
    W = jax.random.uniform(k3, (OUT_FEATURES, IN_FEATURES), dtype=jnp.float32, minval=-limit, maxval=limit)
    b = jnp.zeros((OUT_FEATURES,), dtype=jnp.float32)
    return {"d_A": d_A, "masked_indices_list": masked_indices_list, "W": W, "b": b}


def reference(d_A, masked_indices_list, W, b):
    batch_size, Q_, _ = d_A.shape
    n_masked = masked_indices_list.shape[1]
    # Build global (batch, position) index pairs, equivalent to the torch loop
    batch_idx = jnp.repeat(jnp.arange(batch_size), n_masked)
    local_idx = masked_indices_list.reshape(-1)
    # Gather masked token features
    masked_d_A = d_A[batch_idx, local_idx, :]
    # Linear upsample to 2*16 = 32 dims
    upsampled = masked_d_A @ W.T + b
    upsampled = upsampled.astype(d_A.dtype)
    # Scatter-overwrite into zero canvas
    predicted_audio = jnp.zeros((batch_size, Q_, OUT_FEATURES), dtype=d_A.dtype)
    predicted_audio = predicted_audio.at[batch_idx, local_idx].set(upsampled)
    return predicted_audio

if __name__ == "__main__":
    import jax
    _d = setup_inputs()
    print(jax.jit(kernel)(*tuple(_d.values())))

</pallas_src>

<mosaic_0001>
#map = affine_map<(d0, d1) -> (0, 0)>
module attributes {stable_mosaic.version = 14 : i64} {
  func.func @mask_kernel(%arg0: i32, %arg1: i32, %arg2: memref<16x2048xi32, #tpu.memory_space<hbm>>, %arg3: memref<16x4096xf32, #tpu.memory_space<hbm>>, %arg4: memref<2048xi32, #tpu.memory_space<vmem>>, %arg5: memref<2048xf32, #tpu.memory_space<vmem>>) attributes {dimension_semantics = [#tpu.dimension_semantics<core_parallel>, #tpu.dimension_semantics<subcore_parallel>], iteration_bounds = array<i64: 2, 16>, scalar_prefetch = 0 : i64, scratch_operands = 2 : i64, tpu.core_type = #tpu.core_type<sc_vector_subcore>, window_params = [{transform_indices = #map}, {transform_indices = #map}]} {
    %mul3A = arith.constant 2 : i32
    %mul3A_0 = arith.muli %arg1, %mul3A : i32
    %add3A = arith.addi %mul3A_0, %arg0 : i32
    %jit3A = arith.constant 2 : i32
    %div3A = arith.divsi %add3A, %jit3A : i32
    %sign3A = arith.constant 0 : i32
    %sign3A_1 = arith.cmpi sgt, %add3A, %sign3A : i32
    %sign3A_2 = arith.extui %sign3A_1 : i1 to i32
    %sign3A_3 = arith.constant 0 : i32
    %sign3A_4 = arith.cmpi slt, %add3A, %sign3A_3 : i32
    %sign3A_5 = arith.extui %sign3A_4 : i1 to i32
    %sign3A_6 = arith.subi %sign3A_2, %sign3A_5 : i32
    %sign3A_7 = arith.constant 0 : i32
    %sign3A_8 = arith.cmpi sgt, %jit3A, %sign3A_7 : i32
    %sign3A_9 = arith.extui %sign3A_8 : i1 to i32
    %sign3A_10 = arith.constant 0 : i32
    %sign3A_11 = arith.cmpi slt, %jit3A, %sign3A_10 : i32
    %sign3A_12 = arith.extui %sign3A_11 : i1 to i32
    %sign3A_13 = arith.subi %sign3A_9, %sign3A_12 : i32
    %ne3A = arith.cmpi ne, %sign3A_6, %sign3A_13 : i32
    %rem3A = arith.remsi %add3A, %jit3A : i32
    %ne3A_14 = arith.constant 0 : i32
    %ne3A_15 = arith.cmpi ne, %rem3A, %ne3A_14 : i32
    %and3A = arith.andi %ne3A, %ne3A_15 : i1
    %sub3A = arith.constant 1 : i32
    %sub3A_16 = arith.subi %div3A, %sub3A : i32
    %select_n3A = arith.select %and3A, %sub3A_16, %div3A : i32
    %jit3A_17 = arith.constant 2 : i32
    %eq3A = arith.constant 0 : i32
    %eq3A_18 = arith.cmpi eq, %jit3A_17, %eq3A : i32
    %jit3A_19 = arith.constant 1 : i32
    %select_n3A_20 = arith.select %eq3A_18, %jit3A_19, %jit3A_17 : i32
    %rem3A_21 = arith.remsi %add3A, %select_n3A_20 : i32
    %ne3A_22 = arith.constant 0 : i32
    %ne3A_23 = arith.cmpi ne, %rem3A_21, %ne3A_22 : i32
    %lt3A = arith.constant 0 : i32
    %lt3A_24 = arith.cmpi slt, %rem3A_21, %lt3A : i32
    %lt3A_25 = arith.constant 0 : i32
    %lt3A_26 = arith.cmpi slt, %select_n3A_20, %lt3A_25 : i32
    %ne3A_27 = arith.xori %lt3A_24, %lt3A_26 : i1
    %and3A_28 = arith.andi %ne3A_27, %ne3A_23 : i1
    %add3A_29 = arith.addi %rem3A_21, %select_n3A_20 : i32
    %select_n3A_30 = arith.select %and3A_28, %add3A_29, %rem3A_21 : i32
    %mul3A_31 = arith.constant 2048 : i32
    %mul3A_32 = arith.muli %select_n3A_30, %mul3A_31 : i32
    "tpu.region"() ({
      %run_scoped3A = tpu.sem_alloc : memref<!tpu.dma_semaphore, #tpu.memory_space<semaphore_mem>>
      %dma_start3A = arith.constant 0 : i32
      %dma_start3A_47 = tpu.memref_slice %arg2[%select_n3A, %dma_start3A] : memref<16x2048xi32, #tpu.memory_space<hbm>> -> memref<1x2048xi32, #tpu.memory_space<hbm>>
      %dma_start3A_48 = tpu.memref_squeeze %dma_start3A_47 : memref<1x2048xi32, #tpu.memory_space<hbm>> -> memref<2048xi32, #tpu.memory_space<hbm>>
      %dma_start3A_49 = arith.constant 0 : i32
      %dma_start3A_50 = tpu.memref_slice %arg2[%select_n3A, %dma_start3A_49] : memref<16x2048xi32, #tpu.memory_space<hbm>> -> memref<1x2048xi32, #tpu.memory_space<hbm>>
      %dma_start3A_51 = tpu.memref_squeeze %dma_start3A_50 : memref<1x2048xi32, #tpu.memory_space<hbm>> -> memref<2048xi32, #tpu.memory_space<hbm>>
      tpu.enqueue_dma source(%dma_start3A_51 : memref<2048xi32, #tpu.memory_space<hbm>>) target(%arg4 : memref<2048xi32, #tpu.memory_space<vmem>>) target_semaphore(%run_scoped3A : memref<!tpu.dma_semaphore, #tpu.memory_space<semaphore_mem>>)
      %dma_wait3A = arith.constant 0 : i32
      %dma_wait3A_52 = tpu.memref_slice %arg2[%select_n3A, %dma_wait3A] : memref<16x2048xi32, #tpu.memory_space<hbm>> -> memref<1x2048xi32, #tpu.memory_space<hbm>>
      %dma_wait3A_53 = tpu.memref_squeeze %dma_wait3A_52 : memref<1x2048xi32, #tpu.memory_space<hbm>> -> memref<2048xi32, #tpu.memory_space<hbm>>
      %dma_wait3A_54 = arith.constant 0 : i32
      %dma_wait3A_55 = tpu.memref_slice %arg2[%select_n3A, %dma_wait3A_54] : memref<16x2048xi32, #tpu.memory_space<hbm>> -> memref<1x2048xi32, #tpu.memory_space<hbm>>
      %dma_wait3A_56 = tpu.memref_squeeze %dma_wait3A_55 : memref<1x2048xi32, #tpu.memory_space<hbm>> -> memref<2048xi32, #tpu.memory_space<hbm>>
      tpu.wait_dma2 semaphore(%run_scoped3A : memref<!tpu.dma_semaphore, #tpu.memory_space<semaphore_mem>>) src(%dma_wait3A_56 : memref<2048xi32, #tpu.memory_space<hbm>>) dst(%arg4 : memref<2048xi32, #tpu.memory_space<vmem>>)
      tpu.yield
    }) : () -> ()
    %broadcast_in_dim3A = arith.constant 0.000000e+00 : f32
    %broadcast_in_dim3A_33 = vector.broadcast %broadcast_in_dim3A : f32 to vector<16xf32>
    %scan3A = arith.constant 0 : i32
    %scan3A_34 = arith.constant 0 : i32
    %scan3A_35 = arith.constant 128 : i32
    %scan3A_36 = arith.addi %scan3A_34, %scan3A_35 : i32
    %scan3A_37 = arith.constant 8 : i32
    scf.for %scan3A_47 = %scan3A_34 to %scan3A_36 step %scan3A_37  : i32 {
      %mul3A_48 = arith.constant 16 : i32
      %mul3A_49 = arith.muli %scan3A_47, %mul3A_48 : i32
      %swap3A = arith.index_cast %mul3A_49 : i32 to index
      %swap3A_50 = tpu.vector_load %arg5[%swap3A] {strides = array<i32>} : memref<2048xf32, #tpu.memory_space<vmem>>, vector<16xf32>,
      tpu.vector_store %arg5[%swap3A], %broadcast_in_dim3A_33 {strides = array<i32>} : memref<2048xf32, #tpu.memory_space<vmem>>, vector<16xf32>,
      %scan3A_51 = arith.constant 1 : i32
      %scan3A_52 = arith.addi %scan3A_47, %scan3A_51 : i32
      %mul3A_53 = arith.constant 16 : i32
      %mul3A_54 = arith.muli %scan3A_52, %mul3A_53 : i32
      %swap3A_55 = arith.index_cast %mul3A_54 : i32 to index
      %swap3A_56 = tpu.vector_load %arg5[%swap3A_55] {strides = array<i32>} : memref<2048xf32, #tpu.memory_space<vmem>>, vector<16xf32>,
      tpu.vector_store %arg5[%swap3A_55], %broadcast_in_dim3A_33 {strides = array<i32>} : memref<2048xf32, #tpu.memory_space<vmem>>, vector<16xf32>,
      %scan3A_57 = arith.constant 2 : i32
      %scan3A_58 = arith.addi %scan3A_47, %scan3A_57 : i32
      %mul3A_59 = arith.constant 16 : i32
      %mul3A_60 = arith.muli %scan3A_58, %mul3A_59 : i32
      %swap3A_61 = arith.index_cast %mul3A_60 : i32 to index
      %swap3A_62 = tpu.vector_load %arg5[%swap3A_61] {strides = array<i32>} : memref<2048xf32, #tpu.memory_space<vmem>>, vector<16xf32>,
      tpu.vector_store %arg5[%swap3A_61], %broadcast_in_dim3A_33 {strides = array<i32>} : memref<2048xf32, #tpu.memory_space<vmem>>, vector<16xf32>,
      %scan3A_63 = arith.constant 3 : i32
      %scan3A_64 = arith.addi %scan3A_47, %scan3A_63 : i32
      %mul3A_65 = arith.constant 16 : i32
      %mul3A_66 = arith.muli %scan3A_64, %mul3A_65 : i32
      %swap3A_67 = arith.index_cast %mul3A_66 : i32 to index
      %swap3A_68 = tpu.vector_load %arg5[%swap3A_67] {strides = array<i32>} : memref<2048xf32, #tpu.memory_space<vmem>>, vector<16xf32>,
      tpu.vector_store %arg5[%swap3A_67], %broadcast_in_dim3A_33 {strides = array<i32>} : memref<2048xf32, #tpu.memory_space<vmem>>, vector<16xf32>,
      %scan3A_69 = arith.constant 4 : i32
      %scan3A_70 = arith.addi %scan3A_47, %scan3A_69 : i32
      %mul3A_71 = arith.constant 16 : i32
      %mul3A_72 = arith.muli %scan3A_70, %mul3A_71 : i32
      %swap3A_73 = arith.index_cast %mul3A_72 : i32 to index
      %swap3A_74 = tpu.vector_load %arg5[%swap3A_73] {strides = array<i32>} : memref<2048xf32, #tpu.memory_space<vmem>>, vector<16xf32>,
      tpu.vector_store %arg5[%swap3A_73], %broadcast_in_dim3A_33 {strides = array<i32>} : memref<2048xf32, #tpu.memory_space<vmem>>, vector<16xf32>,
      %scan3A_75 = arith.constant 5 : i32
      %scan3A_76 = arith.addi %scan3A_47, %scan3A_75 : i32
      %mul3A_77 = arith.constant 16 : i32
      %mul3A_78 = arith.muli %scan3A_76, %mul3A_77 : i32
      %swap3A_79 = arith.index_cast %mul3A_78 : i32 to index
      %swap3A_80 = tpu.vector_load %arg5[%swap3A_79] {strides = array<i32>} : memref<2048xf32, #tpu.memory_space<vmem>>, vector<16xf32>,
      tpu.vector_store %arg5[%swap3A_79], %broadcast_in_dim3A_33 {strides = array<i32>} : memref<2048xf32, #tpu.memory_space<vmem>>, vector<16xf32>,
      %scan3A_81 = arith.constant 6 : i32
      %scan3A_82 = arith.addi %scan3A_47, %scan3A_81 : i32
      %mul3A_83 = arith.constant 16 : i32
      %mul3A_84 = arith.muli %scan3A_82, %mul3A_83 : i32
      %swap3A_85 = arith.index_cast %mul3A_84 : i32 to index
      %swap3A_86 = tpu.vector_load %arg5[%swap3A_85] {strides = array<i32>} : memref<2048xf32, #tpu.memory_space<vmem>>, vector<16xf32>,
      tpu.vector_store %arg5[%swap3A_85], %broadcast_in_dim3A_33 {strides = array<i32>} : memref<2048xf32, #tpu.memory_space<vmem>>, vector<16xf32>,
      %scan3A_87 = arith.constant 7 : i32
      %scan3A_88 = arith.addi %scan3A_47, %scan3A_87 : i32
      %mul3A_89 = arith.constant 16 : i32
      %mul3A_90 = arith.muli %scan3A_88, %mul3A_89 : i32
      %swap3A_91 = arith.index_cast %mul3A_90 : i32 to index
      %swap3A_92 = tpu.vector_load %arg5[%swap3A_91] {strides = array<i32>} : memref<2048xf32, #tpu.memory_space<vmem>>, vector<16xf32>,
      tpu.vector_store %arg5[%swap3A_91], %broadcast_in_dim3A_33 {strides = array<i32>} : memref<2048xf32, #tpu.memory_space<vmem>>, vector<16xf32>,
    }
    %scan3A_38 = arith.constant 128 : i32
    %broadcast_in_dim3A_39 = arith.constant 1.000000e+00 : f32
    %broadcast_in_dim3A_40 = vector.broadcast %broadcast_in_dim3A_39 : f32 to vector<16xf32>
    %scan3A_41 = arith.constant 0 : i32
    %scan3A_42 = arith.constant 0 : i32
    %scan3A_43 = arith.constant 128 : i32
    %scan3A_44 = arith.addi %scan3A_42, %scan3A_43 : i32
    %scan3A_45 = arith.constant 8 : i32
    scf.for %scan3A_47 = %scan3A_42 to %scan3A_44 step %scan3A_45  : i32 {
      %mul3A_48 = arith.constant 16 : i32
      %mul3A_49 = arith.muli %scan3A_47, %mul3A_48 : i32
      %get3A = arith.index_cast %mul3A_49 : i32 to index
      %get3A_50 = tpu.vector_load %arg4[%get3A] {strides = array<i32>} : memref<2048xi32, #tpu.memory_space<vmem>>, vector<16xi32>,
      %sub3A_51 = vector.broadcast %mul3A_32 : i32 to vector<16xi32>
      %sub3A_52 = arith.subi %get3A_50, %sub3A_51 : vector<16xi32>
      %ge3A = arith.constant 0 : i32
      %ge3A_53 = vector.broadcast %ge3A : i32 to vector<16xi32>
      %ge3A_54 = arith.cmpi sge, %sub3A_52, %ge3A_53 : vector<16xi32>
      %lt3A_55 = arith.constant 2048 : i32
      %lt3A_56 = vector.broadcast %lt3A_55 : i32 to vector<16xi32>
      %lt3A_57 = arith.cmpi slt, %sub3A_52, %lt3A_56 : vector<16xi32>
      %and3A_58 = arith.andi %ge3A_54, %lt3A_57 : vector<16xi1>
      %jit3A_59 = arith.constant 0 : i32
      %broadcast_in_dim3A_60 = vector.broadcast %jit3A_59 : i32 to vector<16xi32>
      %select_n3A_61 = arith.select %and3A_58, %sub3A_52, %broadcast_in_dim3A_60 : vector<16xi1>, vector<16xi32>
      tpu.vector_store_idx %arg5[%select_n3A_61], %broadcast_in_dim3A_40 masked %and3A_58 : memref<2048xf32, #tpu.memory_space<vmem>>[vector<16xi32>], vector<16xf32>, vector<16xi1>
      %scan3A_62 = arith.constant 1 : i32
      %scan3A_63 = arith.addi %scan3A_47, %scan3A_62 : i32
      %mul3A_64 = arith.constant 16 : i32
      %mul3A_65 = arith.muli %scan3A_63, %mul3A_64 : i32
      %get3A_66 = arith.index_cast %mul3A_65 : i32 to index
      %get3A_67 = tpu.vector_load %arg4[%get3A_66] {strides = array<i32>} : memref<2048xi32, #tpu.memory_space<vmem>>, vector<16xi32>,
      %sub3A_68 = vector.broadcast %mul3A_32 : i32 to vector<16xi32>
      %sub3A_69 = arith.subi %get3A_67, %sub3A_68 : vector<16xi32>
      %ge3A_70 = arith.constant 0 : i32
      %ge3A_71 = vector.broadcast %ge3A_70 : i32 to vector<16xi32>
      %ge3A_72 = arith.cmpi sge, %sub3A_69, %ge3A_71 : vector<16xi32>
      %lt3A_73 = arith.constant 2048 : i32
      %lt3A_74 = vector.broadcast %lt3A_73 : i32 to vector<16xi32>
      %lt3A_75 = arith.cmpi slt, %sub3A_69, %lt3A_74 : vector<16xi32>
      %and3A_76 = arith.andi %ge3A_72, %lt3A_75 : vector<16xi1>
      %jit3A_77 = arith.constant 0 : i32
      %broadcast_in_dim3A_78 = vector.broadcast %jit3A_77 : i32 to vector<16xi32>
      %select_n3A_79 = arith.select %and3A_76, %sub3A_69, %broadcast_in_dim3A_78 : vector<16xi1>, vector<16xi32>
      tpu.vector_store_idx %arg5[%select_n3A_79], %broadcast_in_dim3A_40 masked %and3A_76 : memref<2048xf32, #tpu.memory_space<vmem>>[vector<16xi32>], vector<16xf32>, vector<16xi1>
      %scan3A_80 = arith.constant 2 : i32
      %scan3A_81 = arith.addi %scan3A_47, %scan3A_80 : i32
      %mul3A_82 = arith.constant 16 : i32
      %mul3A_83 = arith.muli %scan3A_81, %mul3A_82 : i32
      %get3A_84 = arith.index_cast %mul3A_83 : i32 to index
      %get3A_85 = tpu.vector_load %arg4[%get3A_84] {strides = array<i32>} : memref<2048xi32, #tpu.memory_space<vmem>>, vector<16xi32>,
      %sub3A_86 = vector.broadcast %mul3A_32 : i32 to vector<16xi32>
      %sub3A_87 = arith.subi %get3A_85, %sub3A_86 : vector<16xi32>
      %ge3A_88 = arith.constant 0 : i32
      %ge3A_89 = vector.broadcast %ge3A_88 : i32 to vector<16xi32>
      %ge3A_90 = arith.cmpi sge, %sub3A_87, %ge3A_89 : vector<16xi32>
      %lt3A_91 = arith.constant 2048 : i32
      %lt3A_92 = vector.broadcast %lt3A_91 : i32 to vector<16xi32>
      %lt3A_93 = arith.cmpi slt, %sub3A_87, %lt3A_92 : vector<16xi32>
      %and3A_94 = arith.andi %ge3A_90, %lt3A_93 : vector<16xi1>
      %jit3A_95 = arith.constant 0 : i32
      %broadcast_in_dim3A_96 = vector.broadcast %jit3A_95 : i32 to vector<16xi32>
      %select_n3A_97 = arith.select %and3A_94, %sub3A_87, %broadcast_in_dim3A_96 : vector<16xi1>, vector<16xi32>
      tpu.vector_store_idx %arg5[%select_n3A_97], %broadcast_in_dim3A_40 masked %and3A_94 : memref<2048xf32, #tpu.memory_space<vmem>>[vector<16xi32>], vector<16xf32>, vector<16xi1>
      %scan3A_98 = arith.constant 3 : i32
      %scan3A_99 = arith.addi %scan3A_47, %scan3A_98 : i32
      %mul3A_100 = arith.constant 16 : i32
      %mul3A_101 = arith.muli %scan3A_99, %mul3A_100 : i32
      %get3A_102 = arith.index_cast %mul3A_101 : i32 to index
      %get3A_103 = tpu.vector_load %arg4[%get3A_102] {strides = array<i32>} : memref<2048xi32, #tpu.memory_space<vmem>>, vector<16xi32>,
      %sub3A_104 = vector.broadcast %mul3A_32 : i32 to vector<16xi32>
      %sub3A_105 = arith.subi %get3A_103, %sub3A_104 : vector<16xi32>
      %ge3A_106 = arith.constant 0 : i32
      %ge3A_107 = vector.broadcast %ge3A_106 : i32 to vector<16xi32>
      %ge3A_108 = arith.cmpi sge, %sub3A_105, %ge3A_107 : vector<16xi32>
      %lt3A_109 = arith.constant 2048 : i32
      %lt3A_110 = vector.broadcast %lt3A_109 : i32 to vector<16xi32>
      %lt3A_111 = arith.cmpi slt, %sub3A_105, %lt3A_110 : vector<16xi32>
      %and3A_112 = arith.andi %ge3A_108, %lt3A_111 : vector<16xi1>
      %jit3A_113 = arith.constant 0 : i32
      %broadcast_in_dim3A_114 = vector.broadcast %jit3A_113 : i32 to vector<16xi32>
      %select_n3A_115 = arith.select %and3A_112, %sub3A_105, %broadcast_in_dim3A_114 : vector<16xi1>, vector<16xi32>
      tpu.vector_store_idx %arg5[%select_n3A_115], %broadcast_in_dim3A_40 masked %and3A_112 : memref<2048xf32, #tpu.memory_space<vmem>>[vector<16xi32>], vector<16xf32>, vector<16xi1>
      %scan3A_116 = arith.constant 4 : i32
      %scan3A_117 = arith.addi %scan3A_47, %scan3A_116 : i32
      %mul3A_118 = arith.constant 16 : i32
      %mul3A_119 = arith.muli %scan3A_117, %mul3A_118 : i32
      %get3A_120 = arith.index_cast %mul3A_119 : i32 to index
      %get3A_121 = tpu.vector_load %arg4[%get3A_120] {strides = array<i32>} : memref<2048xi32, #tpu.memory_space<vmem>>, vector<16xi32>,
      %sub3A_122 = vector.broadcast %mul3A_32 : i32 to vector<16xi32>
      %sub3A_123 = arith.subi %get3A_121, %sub3A_122 : vector<16xi32>
      %ge3A_124 = arith.constant 0 : i32
      %ge3A_125 = vector.broadcast %ge3A_124 : i32 to vector<16xi32>
      %ge3A_126 = arith.cmpi sge, %sub3A_123, %ge3A_125 : vector<16xi32>
      %lt3A_127 = arith.constant 2048 : i32
      %lt3A_128 = vector.broadcast %lt3A_127 : i32 to vector<16xi32>
      %lt3A_129 = arith.cmpi slt, %sub3A_123, %lt3A_128 : vector<16xi32>
      %and3A_130 = arith.andi %ge3A_126, %lt3A_129 : vector<16xi1>
      %jit3A_131 = arith.constant 0 : i32
      %broadcast_in_dim3A_132 = vector.broadcast %jit3A_131 : i32 to vector<16xi32>
      %select_n3A_133 = arith.select %and3A_130, %sub3A_123, %broadcast_in_dim3A_132 : vector<16xi1>, vector<16xi32>
      tpu.vector_store_idx %arg5[%select_n3A_133], %broadcast_in_dim3A_40 masked %and3A_130 : memref<2048xf32, #tpu.memory_space<vmem>>[vector<16xi32>], vector<16xf32>, vector<16xi1>
      %scan3A_134 = arith.constant 5 : i32
      %scan3A_135 = arith.addi %scan3A_47, %scan3A_134 : i32
      %mul3A_136 = arith.constant 16 : i32
      %mul3A_137 = arith.muli %scan3A_135, %mul3A_136 : i32
      %get3A_138 = arith.index_cast %mul3A_137 : i32 to index
      %get3A_139 = tpu.vector_load %arg4[%get3A_138] {strides = array<i32>} : memref<2048xi32, #tpu.memory_space<vmem>>, vector<16xi32>,
      %sub3A_140 = vector.broadcast %mul3A_32 : i32 to vector<16xi32>
      %sub3A_141 = arith.subi %get3A_139, %sub3A_140 : vector<16xi32>
      %ge3A_142 = arith.constant 0 : i32
      %ge3A_143 = vector.broadcast %ge3A_142 : i32 to vector<16xi32>
      %ge3A_144 = arith.cmpi sge, %sub3A_141, %ge3A_143 : vector<16xi32>
      %lt3A_145 = arith.constant 2048 : i32
      %lt3A_146 = vector.broadcast %lt3A_145 : i32 to vector<16xi32>
      %lt3A_147 = arith.cmpi slt, %sub3A_141, %lt3A_146 : vector<16xi32>
      %and3A_148 = arith.andi %ge3A_144, %lt3A_147 : vector<16xi1>
      %jit3A_149 = arith.constant 0 : i32
      %broadcast_in_dim3A_150 = vector.broadcast %jit3A_149 : i32 to vector<16xi32>
      %select_n3A_151 = arith.select %and3A_148, %sub3A_141, %broadcast_in_dim3A_150 : vector<16xi1>, vector<16xi32>
      tpu.vector_store_idx %arg5[%select_n3A_151], %broadcast_in_dim3A_40 masked %and3A_148 : memref<2048xf32, #tpu.memory_space<vmem>>[vector<16xi32>], vector<16xf32>, vector<16xi1>
      %scan3A_152 = arith.constant 6 : i32
      %scan3A_153 = arith.addi %scan3A_47, %scan3A_152 : i32
      %mul3A_154 = arith.constant 16 : i32
      %mul3A_155 = arith.muli %scan3A_153, %mul3A_154 : i32
      %get3A_156 = arith.index_cast %mul3A_155 : i32 to index
      %get3A_157 = tpu.vector_load %arg4[%get3A_156] {strides = array<i32>} : memref<2048xi32, #tpu.memory_space<vmem>>, vector<16xi32>,
      %sub3A_158 = vector.broadcast %mul3A_32 : i32 to vector<16xi32>
      %sub3A_159 = arith.subi %get3A_157, %sub3A_158 : vector<16xi32>
      %ge3A_160 = arith.constant 0 : i32
      %ge3A_161 = vector.broadcast %ge3A_160 : i32 to vector<16xi32>
      %ge3A_162 = arith.cmpi sge, %sub3A_159, %ge3A_161 : vector<16xi32>
      %lt3A_163 = arith.constant 2048 : i32
      %lt3A_164 = vector.broadcast %lt3A_163 : i32 to vector<16xi32>
      %lt3A_165 = arith.cmpi slt, %sub3A_159, %lt3A_164 : vector<16xi32>
      %and3A_166 = arith.andi %ge3A_162, %lt3A_165 : vector<16xi1>
      %jit3A_167 = arith.constant 0 : i32
      %broadcast_in_dim3A_168 = vector.broadcast %jit3A_167 : i32 to vector<16xi32>
      %select_n3A_169 = arith.select %and3A_166, %sub3A_159, %broadcast_in_dim3A_168 : vector<16xi1>, vector<16xi32>
      tpu.vector_store_idx %arg5[%select_n3A_169], %broadcast_in_dim3A_40 masked %and3A_166 : memref<2048xf32, #tpu.memory_space<vmem>>[vector<16xi32>], vector<16xf32>, vector<16xi1>
      %scan3A_170 = arith.constant 7 : i32
      %scan3A_171 = arith.addi %scan3A_47, %scan3A_170 : i32
      %mul3A_172 = arith.constant 16 : i32
      %mul3A_173 = arith.muli %scan3A_171, %mul3A_172 : i32
      %get3A_174 = arith.index_cast %mul3A_173 : i32 to index
      %get3A_175 = tpu.vector_load %arg4[%get3A_174] {strides = array<i32>} : memref<2048xi32, #tpu.memory_space<vmem>>, vector<16xi32>,
      %sub3A_176 = vector.broadcast %mul3A_32 : i32 to vector<16xi32>
      %sub3A_177 = arith.subi %get3A_175, %sub3A_176 : vector<16xi32>
      %ge3A_178 = arith.constant 0 : i32
      %ge3A_179 = vector.broadcast %ge3A_178 : i32 to vector<16xi32>
      %ge3A_180 = arith.cmpi sge, %sub3A_177, %ge3A_179 : vector<16xi32>
      %lt3A_181 = arith.constant 2048 : i32
      %lt3A_182 = vector.broadcast %lt3A_181 : i32 to vector<16xi32>
      %lt3A_183 = arith.cmpi slt, %sub3A_177, %lt3A_182 : vector<16xi32>
      %and3A_184 = arith.andi %ge3A_180, %lt3A_183 : vector<16xi1>
      %jit3A_185 = arith.constant 0 : i32
      %broadcast_in_dim3A_186 = vector.broadcast %jit3A_185 : i32 to vector<16xi32>
      %select_n3A_187 = arith.select %and3A_184, %sub3A_177, %broadcast_in_dim3A_186 : vector<16xi1>, vector<16xi32>
      tpu.vector_store_idx %arg5[%select_n3A_187], %broadcast_in_dim3A_40 masked %and3A_184 : memref<2048xf32, #tpu.memory_space<vmem>>[vector<16xi32>], vector<16xf32>, vector<16xi1>
    }
    %scan3A_46 = arith.constant 128 : i32
    "tpu.region"() ({
      %run_scoped3A = tpu.sem_alloc : memref<!tpu.dma_semaphore, #tpu.memory_space<semaphore_mem>>
      %dma_start3A = tpu.memref_slice %arg3[%select_n3A, %mul3A_32] : memref<16x4096xf32, #tpu.memory_space<hbm>> -> memref<1x2048xf32, #tpu.memory_space<hbm>>
      %dma_start3A_47 = tpu.memref_squeeze %dma_start3A : memref<1x2048xf32, #tpu.memory_space<hbm>> -> memref<2048xf32, #tpu.memory_space<hbm>>
      %dma_start3A_48 = tpu.memref_slice %arg3[%select_n3A, %mul3A_32] : memref<16x4096xf32, #tpu.memory_space<hbm>> -> memref<1x2048xf32, #tpu.memory_space<hbm>>
      %dma_start3A_49 = tpu.memref_squeeze %dma_start3A_48 : memref<1x2048xf32, #tpu.memory_space<hbm>> -> memref<2048xf32, #tpu.memory_space<hbm>>
      tpu.enqueue_dma source(%arg5 : memref<2048xf32, #tpu.memory_space<vmem>>) target(%dma_start3A_49 : memref<2048xf32, #tpu.memory_space<hbm>>) target_semaphore(%run_scoped3A : memref<!tpu.dma_semaphore, #tpu.memory_space<semaphore_mem>>)
      %dma_wait3A = tpu.memref_slice %arg3[%select_n3A, %mul3A_32] : memref<16x4096xf32, #tpu.memory_space<hbm>> -> memref<1x2048xf32, #tpu.memory_space<hbm>>
      %dma_wait3A_50 = tpu.memref_squeeze %dma_wait3A : memref<1x2048xf32, #tpu.memory_space<hbm>> -> memref<2048xf32, #tpu.memory_space<hbm>>
      %dma_wait3A_51 = tpu.memref_slice %arg3[%select_n3A, %mul3A_32] : memref<16x4096xf32, #tpu.memory_space<hbm>> -> memref<1x2048xf32, #tpu.memory_space<hbm>>
      %dma_wait3A_52 = tpu.memref_squeeze %dma_wait3A_51 : memref<1x2048xf32, #tpu.memory_space<hbm>> -> memref<2048xf32, #tpu.memory_space<hbm>>
      tpu.wait_dma2 semaphore(%run_scoped3A : memref<!tpu.dma_semaphore, #tpu.memory_space<semaphore_mem>>) src(%arg5 : memref<2048xf32, #tpu.memory_space<vmem>>) dst(%dma_wait3A_52 : memref<2048xf32, #tpu.memory_space<hbm>>)
      tpu.yield
    }) : () -> ()
    return
  }
}

module attributes {stable_mosaic.version = 14 : i64} {
  func.func @body(%arg0: i32, %arg1: memref<1x4096x512xf32, #tpu.memory_space<vmem>>, %arg2: memref<16x4096xf32, #tpu.memory_space<vmem>>, %arg3: memref<32x512xf32, #tpu.memory_space<vmem>>, %arg4: memref<1x32xf32, #tpu.memory_space<vmem>>, %arg5: memref<1x4096x32xf32, #tpu.memory_space<vmem>>) attributes {dimension_semantics = [#tpu.dimension_semantics<arbitrary>], iteration_bounds = array<i64: 16>, scalar_prefetch = 0 : i64, scratch_operands = 0 : i64, tpu.core_type = #tpu.core_type<tc>, window_params = [{transform_indices = @transform_0, window_bounds = array<i64: 1, 4096, 512>}, {pipeline_mode = #tpu.pipeline_mode<synchronous>, transform_indices = @transform_1, window_bounds = array<i64: 16, 4096>}, {pipeline_mode = #tpu.pipeline_mode<synchronous>, transform_indices = @transform_2, window_bounds = array<i64: 32, 512>}, {pipeline_mode = #tpu.pipeline_mode<synchronous>, transform_indices = @transform_3, window_bounds = array<i64: 1, 32>}, {transform_indices = @transform_4, window_bounds = array<i64: 1, 4096, 32>}]} {
    %get3A = arith.constant 0 : index
    %get3A_0 = arith.constant 0 : index
    %get3A_1 = arith.constant 0 : index
    %get3A_2 = vector.load %arg1[%get3A, %get3A_0, %get3A_1] : memref<1x4096x512xf32, #tpu.memory_space<vmem>>, vector<1x4096x512xf32>
    %get3A_3 = vector.shape_cast %get3A_2 : vector<1x4096x512xf32> to vector<4096x512xf32>
    %get3A_4 = arith.constant 0 : index
    %get3A_5 = arith.constant 0 : index
    %get3A_6 = vector.load %arg3[%get3A_4, %get3A_5] : memref<32x512xf32, #tpu.memory_space<vmem>>, vector<32x512xf32>
    %dot_general3A = arith.constant dense<0.000000e+00> : vector<4096x32xf32>
    %dot_general3A_7 = tpu.matmul %get3A_3, %get3A_6, %dot_general3A {dimension_numbers = #tpu.dot_dimension_numbers<[1], [1], [0], [0], [0, 0, 1, 0], [], []>, transpose_lhs_hint = false} : vector<4096x512xf32>, vector<32x512xf32>, vector<4096x32xf32> -> vector<4096x32xf32>
    %get3A_8 = arith.index_cast %arg0 : i32 to index
    %get3A_9 = arith.constant 0 : index
    %get3A_10 = vector.load %arg2[%get3A_8, %get3A_9] : memref<16x4096xf32, #tpu.memory_space<vmem>>, vector<1x4096xf32>
    %broadcast_in_dim3A = arith.constant 1.000000e+00 : f32
    %broadcast_in_dim3A_11 = vector.broadcast %broadcast_in_dim3A : f32 to vector<1x32xf32>
    %dot_general3A_12 = arith.constant dense<0.000000e+00> : vector<4096x32xf32>
    %dot_general3A_13 = tpu.matmul %get3A_10, %broadcast_in_dim3A_11, %dot_general3A_12 {dimension_numbers = #tpu.dot_dimension_numbers<[0], [0], [1], [1], [0, 1, 1, 1], [], []>, transpose_lhs_hint = false} : vector<1x4096xf32>, vector<1x32xf32>, vector<4096x32xf32> -> vector<4096x32xf32>
    %get3A_14 = arith.constant 0 : index
    %get3A_15 = arith.constant 0 : index
    %get3A_16 = vector.load %arg4[%get3A_14, %get3A_15] : memref<1x32xf32, #tpu.memory_space<vmem>>, vector<1x32xf32>
    %add3A = vector.broadcast %get3A_16 : vector<1x32xf32> to vector<4096x32xf32>
    %add3A_17 = arith.addf %dot_general3A_7, %add3A : vector<4096x32xf32>
    %mul3A = arith.mulf %add3A_17, %dot_general3A_13 : vector<4096x32xf32>
    %swap3A = arith.constant 0 : index
    %swap3A_18 = arith.constant 0 : index
    %swap3A_19 = arith.constant 0 : index
    %swap3A_20 = vector.load %arg5[%swap3A, %swap3A_18, %swap3A_19] : memref<1x4096x32xf32, #tpu.memory_space<vmem>>, vector<1x4096x32xf32>
    %swap3A_21 = vector.shape_cast %swap3A_20 : vector<1x4096x32xf32> to vector<4096x32xf32>
    %swap3A_22 = vector.shape_cast %mul3A : vector<4096x32xf32> to vector<1x4096x32xf32>
    tpu.vector_store %arg5[%swap3A, %swap3A_18, %swap3A_19], %swap3A_22 {strides = array<i32>} : memref<1x4096x32xf32, #tpu.memory_space<vmem>>, vector<1x4096x32xf32>,
    return
  }
  func.func @transform_0(%arg0: i32) -> (i32, i32, i32) {
    %c0_i32 = arith.constant 0 : i32
    %c0_i32_0 = arith.constant 0 : i32
    %c0_i32_1 = arith.constant 0 : i32
    return %arg0, %c0_i32, %c0_i32_0 : i32, i32, i32
  }
  func.func @transform_1(%arg0: i32) -> (i32, i32) {
    %c0_i32 = arith.constant 0 : i32
    %c0_i32_0 = arith.constant 0 : i32
    %c0_i32_1 = arith.constant 0 : i32
    return %c0_i32, %c0_i32_0 : i32, i32
  }
  func.func @transform_2(%arg0: i32) -> (i32, i32) {
    %c0_i32 = arith.constant 0 : i32
    %c0_i32_0 = arith.constant 0 : i32
    %c0_i32_1 = arith.constant 0 : i32
    return %c0_i32, %c0_i32_0 : i32, i32
  }
  func.func @transform_3(%arg0: i32) -> (i32, i32) {
    %c0_i32 = arith.constant 0 : i32
    %c0_i32_0 = arith.constant 0 : i32
    %c0_i32_1 = arith.constant 0 : i32
    return %c0_i32, %c0_i32_0 : i32, i32
  }
  func.func @transform_4(%arg0: i32) -> (i32, i32, i32) {
    %c0_i32 = arith.constant 0 : i32
    %c0_i32_0 = arith.constant 0 : i32
    %c0_i32_1 = arith.constant 0 : i32
    return %arg0, %c0_i32, %c0_i32_0 : i32, i32, i32
  }
}

</mosaic_0001>

<sc_bundles>
// kernel: kernel.4.cloned.1.call-start
scs
__scs_entry_jumppad:
0x0: {  	(pc) =	sbr.rel $0x88, $3  }
0x1: {  	(tag) =	ssettag $0x0;
	lr =	simm.s32 $0x1  }
0x2: {  	[smem:$0x3F9D] =	sst lr;
	_ =	strace $0xD0000000  }
0x3: {  	_ = 	snop  }
0x4: {  	_ = 	snop  }
0x5: {  	_ = 	snop  }
0x6: {  	_ = 	snop  }
0x7: {  	_ = 	snop  }
__scs_overlays_trampoline_lowered:
0x8: {  	[smem:$0x3FAC] =	sst s0  }
0x9: {  	[smem:$0x3FAD] =	sst s1  }
0xa: {  	[smem:$0x3FAE] =	sst s2  }
0xb: {  	[smem:$0x3FAF] =	sst s3  }
0xc: {  	[smem:$0x3FB0] =	sst s4  }
0xd: {  	[smem:$0x3FB1] =	sst s5  }
0xe: {  	[smem:$0x3FB2] =	sst s6  }
0xf: {  	[smem:$0x3FB3] =	sst s7  }
0x10: {  	[smem:$0x3FB4] =	sst s8  }
0x11: {  	[smem:$0x3FB5] =	sst s9;
	s0 =	simm.s32 @!p0 $0x0  }
0x12: {  	s1 =	sld [smem:$0x3F9B];
	s0 =	simm.s32 @p0 $0x1  }
0x13: {  	[smem:$0x3FB6] =	sst s0;
	s0 =	simm.s32 @!p1 $0x0  }
0x14: {  	s2 =	sld [smem:$0x3F9A];
	s0 =	simm.s32 @p1 $0x1  }
0x15: {  	[smem:$0x3FB7] =	sst s0;
	s0 =	simm.s32 @!p2 $0x0  }
0x16: {  	s3 =	sld [smem:$0x3FDB];
	s0 =	simm.s32 @p2 $0x1  }
0x17: {  	s4 =	simm.s32 $0x1BF5;
	[smem:$0x3FB9] =	sst s0  }
0x18: {  	s0 =	sld [smem:$0x3F9C];
	_ =	swait.ge [sflag:s4], $0x0  }
0x19: {  	s7 =	sld [smem:$0x3F9D]  }
0x1a: {  	s8 =	sadd.s32 $0xFFFFE003, lr  }
0x1b: {  	s9 =	sadd.s32 $0xFFFFFEF7, lr;
	s5 =	simm.s32 $0xFFFFFFFF;
	p2 =	slt.u32 s8, $0xFFFFF086  }
0x1c: {  	p1 =	slt.u32 s9, $0xF7A;
	s5 =	simm.s32 @!p2 $0x0  }
0x1d: {  	s5 =	simm.s32 @p1 $0x1;
	p0 =	seq.s32 s7, s2  }
0x1e: {  	s7 =	smul.u32 @!p0 $0xF7A, s2;
	p2 =	seq.s32 @!p0 s5, $0x0  }
0x1f: {  	s9 =	smul.u32 $0xF7A, s1;
	s8 =	simm.s32 @!p0 $0x1BF5;
	p2 =	por !p2, p0  }
0x20: {  	[sflag:s8] =	ssyncset.s32 @!p0 $0xFFFFF086;
	s6 =	sadd.s32 @!p0 s3, s7;
	s7 =	simm.s32 @!p0 $0x108  }
0x21: {  	s3 =	sadd.s32 s3, s9;
	s6 =	sadd.s32 @!p0 $0x88, s6;
	s7 =	simm.s32 @p2 $0x1082  }
0x22: {  	[simem:s7], [sflag:s8] =	dma.local @!p0 [hbm:s6], $0xF7A  }
0x23: {  	s9 =	sor.u32 $0xD0000000, s2;
	s6 =	simm.s32 $0x108;
	_ =	swait.ge @!p0 [sflag:s8], $0x0  }
0x24: {  	s3 =	sadd.s32 $0x88, s3;
	s6 =	simm.s32 @!p1 $0x1082;
	[sflag:s4] =	ssyncset.s32 $0xFFFFF086  }
0x25: {  	[simem:s6], [sflag:s4] =	dma.local [hbm:s3], $0xF7A  }
0x26: {  	[smem:$0x3F9D] =	sst s1;
	(tag) =	ssettag s2;
	_ =	strace s9  }
0x27: {  	s1 =	sld [smem:$0x3FAD]  }
0x28: {  	s2 =	sld [smem:$0x3FAE]  }
0x29: {  	s4 =	sld [smem:$0x3FB0]  }
0x2a: {  	p0 =	seq.s32 s5, $0x0;
	s5 =	sld [smem:$0x3FB1]  }
0x2b: {  	s6 =	sld [smem:$0x3FB2]  }
0x2c: {  	s7 =	sld [smem:$0x3FB3]  }
0x2d: {  	s3 =	simm.s32 $0x108;
	s8 =	sld [smem:$0x3FB4]  }
0x2e: {  	s3 =	simm.s32 @!p0 $0x1082;
	s9 =	sld [smem:$0x3FB5]  }
0x2f: {  	lr =	sadd.s32 s0, s3;
	s0 =	sld [smem:$0x3FAC]  }
0x30: {  	s3 =	sld [smem:$0x3FAF]  }
0x31: {  	[smem:$0x3FB8] =	sst s10  }
0x32: {  	s10 =	sld [smem:$0x3FB6];
	_ =	sdelay $0x3  }
0x33: {  	p0 =	seq.s32 s10, $0x1;
	s10 =	sld [smem:$0x3FB8];
	_ =	sdelay $0x3  }
0x34: {  	[smem:$0x3FB8] =	sst s10  }
0x35: {  	s10 =	sld [smem:$0x3FB7];
	_ =	sdelay $0x3  }
0x36: {  	p1 =	seq.s32 s10, $0x1;
	s10 =	sld [smem:$0x3FB8];
	_ =	sdelay $0x3  }
0x37: {  	[smem:$0x3FB8] =	sst s10  }
0x38: {  	s10 =	sld [smem:$0x3FB9]  }
0x39: {  	_ = 	snop;
	(pc) =	sbr.ind lr, $3  }
0x3a: {  	_ = 	snop  }
0x3b: {  	_ = 	snop  }
0x3c: {  	p2 =	seq.s32 s10, $0x1;
	s10 =	sld [smem:$0x3FB8]  }
0x3d: {  	_ =	shalt  }
0x3e: {  	_ =	shalt  }
0x3f: {  	_ =	shalt  }
0x40: {  	_ =	shalt  }
0x41: {  	_ =	shalt  }
0x42: {  	_ =	shalt  }
0x43: {  	_ =	shalt  }
0x44: {  	_ =	shalt  }
0x45: {  	_ =	shalt  }
0x46: {  	_ =	shalt  }
0x47: {  	_ =	shalt  }
0x48: {  	_ =	shalt  }
0x49: {  	_ =	shalt  }
0x4a: {  	_ =	shalt  }
0x4b: {  	_ =	shalt  }
0x4c: {  	_ =	shalt  }
0x4d: {  	_ =	shalt  }
0x4e: {  	_ =	shalt  }
0x4f: {  	_ =	shalt  }
0x50: {  	_ =	shalt  }
0x51: {  	_ =	shalt  }
0x52: {  	_ =	shalt  }
0x53: {  	_ =	shalt  }
0x54: {  	_ =	shalt  }
0x55: {  	_ =	shalt  }
0x56: {  	_ =	shalt  }
0x57: {  	_ =	shalt  }
0x58: {  	_ =	shalt  }
0x59: {  	_ =	shalt  }
0x5a: {  	_ =	shalt  }
0x5b: {  	_ =	shalt  }
0x5c: {  	_ =	shalt  }
0x5d: {  	_ =	shalt  }
0x5e: {  	_ =	shalt  }
0x5f: {  	_ =	shalt  }
0x60: {  	_ =	shalt  }
0x61: {  	_ =	shalt  }
0x62: {  	_ =	shalt  }
0x63: {  	_ =	shalt  }
0x64: {  	_ =	shalt  }
0x65: {  	_ =	shalt  }
0x66: {  	_ =	shalt  }
0x67: {  	_ =	shalt  }
0x68: {  	_ =	shalt  }
0x69: {  	_ =	shalt  }
0x6a: {  	_ =	shalt  }
0x6b: {  	_ =	shalt  }
0x6c: {  	_ =	shalt  }
0x6d: {  	_ =	shalt  }
0x6e: {  	_ =	shalt  }
0x6f: {  	_ =	shalt  }
0x70: {  	_ =	shalt  }
0x71: {  	_ =	shalt  }
0x72: {  	_ =	shalt  }
0x73: {  	_ =	shalt  }
0x74: {  	_ =	shalt  }
0x75: {  	_ =	shalt  }
0x76: {  	_ =	shalt  }
0x77: {  	_ =	shalt  }
0x78: {  	_ =	shalt  }
0x79: {  	_ =	shalt  }
0x7a: {  	_ =	shalt  }
0x7b: {  	_ =	shalt  }
0x7c: {  	_ =	shalt  }
0x7d: {  	_ =	shalt  }
0x7e: {  	_ =	shalt  }
0x7f: {  	_ =	shalt  }
0x80: {  	_ =	shalt  }
0x81: {  	_ =	shalt  }
0x82: {  	_ =	shalt  }
0x83: {  	_ =	shalt  }
0x84: {  	_ =	shalt  }
0x85: {  	_ =	shalt  }
0x86: {  	_ =	shalt  }
0x87: {  	_ =	shalt  }
.Lfunc_end0:
.L_simem_size_0:
called_computation_lowered:
.L_overlay_start_0:
0x88: {  	s2 =	sld [smem:$0x3FD9]  }
0x89: {  	s3 =	sld [smem:$0x3FFE];
	_ =	sdelay $0x1  }
0x8a: {  	s1 =	srdreg.scid  }
0x8b: {  	s0 =	sand.u32 $0x1, s1  }
0x8c: {  	s18 =	sshll.u32 s0, $0xA;
	s2 =	sadd.s32 s3, s2  }
0x8d: {  	s2 =	sadd.s32 s2, s18  }
0x8e: {  	[smem:$0x3FC4] =	sst s2  }
0x8f: {  	_ = 	snop  }
0x90: {  	s2 =	sld [smem:$0x3FC8]  }
0x91: {  	s19 =	sld [smem:$0x3FD0];
	(tm) =	ssettm $0x1  }
0x92: {  	s4 =	sld [smem:$0x3FFB];
	_ =	sdelay $0x3  }
0x93: {  	_ =	strace s4  }
0x94: {  	s4 =	sld [smem:$0x3FFC];
	_ =	sdelay $0x3  }
0x95: {  	_ =	strace s4  }
0x96: {  	s4 =	sld [smem:$0x3FFD];
	_ =	sdelay $0x3  }
0x97: {  	_ =	strace s4  }
0x98: {  	_ =	strace $0x8FFFFFFF  }
0x99: {  	s20 =	sld [smem:$0x3FDB];
	_ =	sdelay $0x1  }
0x9a: {  	s5 =	simm.s32 $_scs_section_size  }
0x9b: {  	s6 =	simm.s32 $_size__tile_overlayer_lowered;
	s7 =	simm.s32 $_tile_overlayer_lowered  }
0x9c: {  	s23 =	simm.s32 $0x1BFF;
	s22 =	sshll.u32 s7, $0x1;
	s4 =	sadd.s32 s5, s20  }
0x9d: {  	s8 =	simm.s32 $0x0;
	s21 =	sshll.u32 s6, $0x1;
	s6 =	sadd.s32 s22, s4  }
0x9e: {  	[timem:s8], [sflag:s23] =	dma.local [hbm:s6], s21  }
0x9f: {  	_ =	swait.ge [sflag:s23], s21  }
0xa0: {  	s5 =	ssub.s32 $0x0, s21;
	[sflag:s23] =	ssyncset.done $0x0  }
0xa1: {  	[sflag:s23] =	ssyncadd.s32 s5;
	_ =	sdelay $0x1  }
0xa2: {  	s24 =	simm.s32 $0x1B8B  }
0xa3: {  	_ =	swait.ge [sflag:s24], $0x1  }
0xa4: {  	[sflag:s24] =	ssyncset.done $0x0  }
0xa5: {  	s25 =	simm.s32 $0x1B8E;
	[sflag:s24] =	ssyncadd.s32 $0xFFFFFFFF  }
0xa6: {  	s26 =	simm.s32 $execute0_lowered;
	[smem:$0x3FD2] =	sst s25  }
0xa7: {  	s5 =	sshll.u32 s26, $0x1;
	_ =	strace $0x80000046;
	[dreg:$0x1] =	wrdreg $0xFFFFFFFF  }
0xa8: {  	s28 =	simm.s32 $_size_execute0_lowered;
	s4 =	sadd.s32 s4, s5;
	[dreg:$0x0] =	wrdreg $0x0  }
0xa9: {  	s5 =	sshll.u32 s28, $0x1;
	[dreg:$0x2] =	wrdreg s4  }
0xaa: {  	[dreg:$0x3] =	wrdreg s5  }
0xab: {  	[dreg:$0x4] =	wrdreg $0xC0  }
0xac: {  	_ =	task [dreg:s8], $0x5FFFF  }
0xad: {  	[dreg:$0x1] =	wrdreg $0xFFFFFFFF  }
0xae: {  	[dreg:$0x0] =	wrdreg $0x60  }
0xaf: {  	[dreg:$0x2] =	wrdreg s2  }
0xb0: {  	[dreg:$0x3] =	wrdreg s19  }
0xb1: {  	[dreg:$0x4] =	wrdreg $0x9  }
0xb2: {  	_ =	task.clear_ibuf [dreg:s8], $0x5FFFF;
	_ =	strace $0x90000046  }
0xb3: {  	s29 =	simm.s32 $0x9;
	_ =	strace $0x80000048  }
0xb4: {  	_ =	swait.ge [sflag:s29], $0x1  }
0xb5: {  	[sflag:s29] =	ssyncadd.s32 $0xFFFFFFFF  }
0xb6: {  	_ =	strace $0x90000048  }
0xb7: {  	_ =	sfence  }
0xb8: {  	s30 =	sld [smem:$0x0];
	_ =	sdelay $0x2  }
0xb9: {  	s31 =	sshll.u32 s1, $0xD;
	s1 =	sshrl.u32 s1, $0x2  }
0xba: {  	s3 =	sand.u32 $0x4000, s31;
	s1 =	sadd.s32 s1, s30  }
0xbb: {  	s0 =	sor.u32 s3, s0;
	s1 =	sshll.u32 s1, $0x11  }
0xbc: {  	s0 =	sor.u32 s1, s0  }
0xbd: {  	s0 =	sadd.s32 $0x8F2B, s0  }
0xbe: {  	[sflag:s0] =	ssyncadd.remote.s32 $0x1  }
0xbf: {  	_ =	sfence.sel $0xFFFF  }
0xc0: {  	[dreg:$0x0] =	wrdreg $0xFFFFFFFF;
	(pc) =	sbr.abs _section_cstart, $3  }
0xc1: {  	[dreg:$0x1] =	wrdreg $0xFFFFFFFF  }
0xc2: {  	_ =	task.clear_ibuf [dreg:s8], $0x2FFFF;
	_ =	strace $0x9FFFFFFF  }
0xc3: {  	(tm) =	ssettm $0x7FFFFFFF  }
tec
execute0_lowered:
.L_overlay_start_1:
0x0: {  	(tag) =	ssettag $0x1  }
0x1: {  	s1 =	srdreg.scid  }
0x2: {  	s0 =	stileid.u32;
	s4 =	sand.u32 $0x1, s1  }
0x3: {  	s1 =	sor.u32 s4, s0  }
0x4: {  	s5 =	rddreg [dreg:$0x0];
	p1 =	seq.s32 s4, $0x1;
	p0 =	seq.s32 s1, $0x0  }
0x5: {  	s6 =	rddreg [dreg:$0x1];
	s2 =	simm.s32 $0x0;
	p0 =	por !p0, !p1  }
0x6: {  	s3 =	simm.s32 $0x1;
	[smem:$0x7FF] =	sst s2;
	p0 =	por !p0, !p0  }
0x7: {  	s7 =	ssub.s32 $0x2, s4;
	s11 =	sshll.u32 s4, $0xE;
	s3 =	simm.s32 @!p0 $0x0  }
0x8: {  	s30 =	sshll.u32 s4, $0xB;
	s1 =	rddreg [dreg:$0x2];
	s3 =	ssub.s32 s0, s3  }
0x9: {  	_ =	strace $0x80000047;
	s8 =	sshll.u32 s3, $0x7;
	s3 =	sshrl.u32 s3, $0x3  }
0xa: {  	s9 =	sshrl.u32 s7, $0x1;
	s8 =	sand.u32 $0x380, s8;
	s10 =	sshll.u32 s3, $0xE  }
0xb: {  	s7 =	ssub.s32 s7, s9;
	s3 =	sshll.u32 s3, $0xF;
	s28 =	sor.u32 s8, s10  }
0xc: {  	s29 =	sor.u32 s11, s3;
	s3 =	simm.s32 $0x1;
	s9 =	sshrl.u32 s28, $0x3  }
0xd: {  	s10 =	simm.s32 $0x0;
	s8 =	sor.u32 s8, s29;
	s4 =	sadd.s32 s5, s9  }
0xe: {  	s31 =	sshrl.u32 s8, $0x3;
	s8 =	simm.s32 $0x400;
	s9 =	simm.s32 $0x800  }
0xf: {  	v1 =	vimm.f32 $0.0e+00;
	v2 =	vimm.f32 $1.000000000e+00;
	v0 =	vmov s30;
	s5 =	sadd.s32 s6, s31;
	s6 =	smax.u32 s7, $0x1;
	s7 =	simm.s32 $0x80  }
.LBB2_1:
0x10: {  	[tilespmem:s2], [sflag:$0x1] =	stream.strided.gather [hbm4b:s4+s7], $0x800, s8, s7, $0x38;
	[tilespmem:$0x1000] =	vst v63  }
0x11: {  	_ =	swait.ge [sflag:s3], $0x800  }
0x12: {  	[sflag:s3] =	ssyncset.done $0x0  }
0x13: {  	s13 =	simm.s32 $0x840;
	[sflag:s3] =	ssyncadd.s32 $0xFFFFF800  }
0x14: {  	[tilespmem:s13+$0xFFFFFFC0] =	vst v1  }
0x15: {  	[tilespmem:s13+$0x30] =	vst v1  }
0x16: {  	[tilespmem:s13+$0x20] =	vst v1  }
0x17: {  	[tilespmem:s13+$0x10] =	vst v1  }
0x18: {  	[tilespmem:s13+$0x0] =	vst v1  }
0x19: {  	[tilespmem:s13+$0xFFFFFFF0] =	vst v1  }
0x1a: {  	s11 =	simm.s32 $0xFFFFFFF8;
	s14 =	simm.s32 $0x0;
	[tilespmem:s13+$0xFFFFFFE0] =	vst v1  }
.LBB2_2:
0x1b: {  	s14 =	sadd.s32 $0x8, s14;
	[tilespmem:s13+$0xFFFFFFD0] =	vst v1;
	s13 =	sadd.s32 $0x80, s13;
	s12 =	simm.s32 $0x40  }
0x1c: {  	[tilespmem:s13+$0xFFFFFFC0] =	vst v1;
	p0 =	slt.u32 s14, $0x78  }
0x1d: {  	[tilespmem:s13+$0x30] =	vst v1  }
.Ltmp0:
0x1e: {  	[tilespmem:s13+$0x20] =	vst v1;
	(pc) =	sbr.rel @p0 .LBB2_2-.Ltmp0, $4  }
0x1f: {  	[tilespmem:s13+$0x10] =	vst v1  }
0x20: {  	[tilespmem:s13+$0x0] =	vst v1  }
0x21: {  	[tilespmem:s13+$0xFFFFFFF0] =	vst v1  }
0x22: {  	[tilespmem:s13+$0xFFFFFFE0] =	vst v1  }
0x23: {  	[tilespmem:s13+$0xFFFFFFD0] =	vst v1  }
.LBB2_4:
0x24: {  	v3 =	vld [tilespmem:s12+$0xFFFFFFC0];
	_ =	sdelay $0x4  }
0x25: {  	v3 =	vsub.s32 v3, v0  }
0x26: {  	vm0 =	vlt.u32 v3, $0x800  }
0x27: {  	v3 =	vnsel vm0, $0x0, v3;
	_ =	sdelay $0x4  }
0x28: {  	[tilespmem:v3+s9+$0x0] =	vst.idx.msk vm0, v2  }
0x29: {  	v3 =	vld [tilespmem:s12+$0xFFFFFFD0];
	_ =	sdelay $0x4  }
0x2a: {  	v3 =	vsub.s32 v3, v0  }
0x2b: {  	vm9 =	vlt.u32 v3, $0x800  }
0x2c: {  	v3 =	vnsel vm9, $0x0, v3;
	_ =	sdelay $0x4  }
0x2d: {  	[tilespmem:v3+s9+$0x0] =	vst.idx.msk vm9, v2  }
0x2e: {  	v3 =	vld [tilespmem:s12+$0xFFFFFFE0];
	_ =	sdelay $0x4  }
0x2f: {  	v3 =	vsub.s32 v3, v0  }
0x30: {  	vm10 =	vlt.u32 v3, $0x800  }
0x31: {  	v3 =	vnsel vm10, $0x0, v3;
	_ =	sdelay $0x4  }
0x32: {  	[tilespmem:v3+s9+$0x0] =	vst.idx.msk vm10, v2  }
0x33: {  	v3 =	vld [tilespmem:s12+$0xFFFFFFF0];
	_ =	sdelay $0x4  }
0x34: {  	v3 =	vsub.s32 v3, v0  }
0x35: {  	vm11 =	vlt.u32 v3, $0x800  }
0x36: {  	v3 =	vnsel vm11, $0x0, v3;
	_ =	sdelay $0x4  }
0x37: {  	[tilespmem:v3+s9+$0x0] =	vst.idx.msk vm11, v2  }
0x38: {  	v3 =	vld [tilespmem:s12+$0x0];
	_ =	sdelay $0x4  }
0x39: {  	v3 =	vsub.s32 v3, v0  }
0x3a: {  	vm12 =	vlt.u32 v3, $0x800  }
0x3b: {  	v3 =	vnsel vm12, $0x0, v3;
	_ =	sdelay $0x4  }
0x3c: {  	[tilespmem:v3+s9+$0x0] =	vst.idx.msk vm12, v2  }
0x3d: {  	v3 =	vld [tilespmem:s12+$0x10];
	_ =	sdelay $0x4  }
0x3e: {  	v3 =	vsub.s32 v3, v0  }
0x3f: {  	vm13 =	vlt.u32 v3, $0x800  }
0x40: {  	v3 =	vnsel vm13, $0x0, v3;
	_ =	sdelay $0x4  }
0x41: {  	[tilespmem:v3+s9+$0x0] =	vst.idx.msk vm13, v2  }
0x42: {  	v3 =	vld [tilespmem:s12+$0x20];
	_ =	sdelay $0x4  }
0x43: {  	v3 =	vsub.s32 v3, v0  }
0x44: {  	vm14 =	vlt.u32 v3, $0x800  }
0x45: {  	v3 =	vnsel vm14, $0x0, v3;
	_ =	sdelay $0x4  }
0x46: {  	[tilespmem:v3+s9+$0x0] =	vst.idx.msk vm14, v2  }
0x47: {  	v3 =	vld [tilespmem:s12+$0x30];
	_ =	sdelay $0x4  }
0x48: {  	v3 =	vsub.s32 v3, v0  }
0x49: {  	s11 =	sadd.s32 $0x8, s11;
	vm15 =	vlt.u32 v3, $0x800  }
0x4a: {  	p0 =	slt.u32 s11, $0x78;
	v3 =	vnsel vm15, $0x0, v3  }
.Ltmp1:
0x4b: {  	_ = 	snop;
	(pc) =	sbr.rel @p0 .LBB2_4-.Ltmp1, $2  }
0x4c: {  	_ =	sdelay $0x2  }
0x4d: {  	s12 =	sadd.s32 $0x80, s12;
	[tilespmem:v3+s9+$0x0] =	vst.idx.msk vm15, v2  }
0x4e: {  	s10 =	sadd.s32 $0x1, s10  }
0x4f: {  	p0 =	sne.s32 s10, s6  }
.Ltmp2:
0x50: {  	_ = 	snop;
	(pc) =	sbr.rel @p0 .LBB2_1-.Ltmp2, $4  }
0x51: {  	[hbm4b:s5+s7] =	stream.strided.scatter [tilespmem:s9], [sflag:$0x1], $0x800, s8, s7, $0x38;
	[tilespmem:$0x1000] =	vst v63  }
0x52: {  	_ =	swait.ge [sflag:s3], $0x800  }
0x53: {  	[sflag:s3] =	ssyncset.done $0x0  }
0x54: {  	[sflag:s3] =	ssyncadd.s32 $0xFFFFF800  }
0x55: {  	_ =	sfence.sel $0x180000  }
0x56: {  	[bflag:$0x0] =	sbarrier.arrive $0xFFFF  }
0x57: {  	p0 =	sne.s32 s0, $0x0;
	_ =	strace $0x90000047  }
0x58: {  	s0 =	sadd.s32 @!p0 $0x100000, s1;
	[bflag:$0x2] =	sbarrier.arrive $0xFFFF  }
0x59: {  	[sflag:s0] =	ssyncadd.tile.s32 @!p0 $0x1;
	_ =	shalt  }
.Lfunc_end2:
_tile_overlayer_lowered:
.L_overlay_start_2:
0x5a: {  	(tag) =	ssettag $0x2  }
0x5b: {  	s0 =	rddreg [dreg:$0x0];
	s2 =	stileid.u32  }
0x5c: {  	s1 =	rddreg [dreg:$0x1];
	p0 =	sne.s32 s2, $0x0  }
0x5d: {  	s3 =	rddreg [dreg:$0x2];
	[bflag:$0x3] =	sbarrier.arrive $0xFFFF;
	s2 =	simm.s32 @!p0 $0x1C01  }
0x5e: {  	[timem:s3], [sflag:s2] =	dma.local @!p0 [hbm:s0], s1  }
0x5f: {  	s0 =	simm.s32 @!p0 $0x1  }
0x60: {  	_ =	swait.ge @!p0 [sflag:s0], s1  }
0x61: {  	s1 =	ssub.s32 @!p0 $0x0, s1;
	[sflag:s0] =	ssyncset.done @!p0 $0x0  }
0x62: {  	[sflag:s0] =	ssyncadd.s32 @!p0 s1  }
0x63: {  	[bflag:$0x3] =	sbarrier.arrive $0xFFFF  }
0x64: {  	_ =	shalt  }

</sc_bundles>
